<compile_context>
chip_gen: v7x
topology: tpu7x:2x2x1
jax: 0.10.2.dev20260603
libtpu: 0.0.44.dev20260713+nightly
codegen_flags: <defaults>
</compile_context>

<pallas_src>
import functools

import jax
import jax.numpy as jnp
from jax import lax
from jax.experimental import pallas as pl
from jax.experimental.pallas import tpu as pltpu
from jax.experimental.pallas import tpu_sc as plsc

NUM_OPS = 1000
NUM_BW = 32
EMB = 128
BATCH = 16384



def _tables_body(opt_ref, pt_ref, w1_ref, b1_ref, top_ref, tcat_ref):
    w1 = w1_ref[...]
    top_ref[...] = jnp.dot(opt_ref[...], w1[0:128],
                           preferred_element_type=jnp.float32) + b1_ref[...]
    pt = pt_ref[...]
    tcat_ref[0:32] = jnp.dot(pt, w1[128:256],
                             preferred_element_type=jnp.float32)
    tcat_ref[32:64] = jnp.dot(pt, w1[256:384],
                              preferred_element_type=jnp.float32)
    tcat_ref[64:96] = jnp.dot(pt, w1[384:512],
                              preferred_element_type=jnp.float32)


def _transform_tables(op_table, param_table, W1, b1):
    return pl.pallas_call(
        _tables_body,
        out_shape=(
            jax.ShapeDtypeStruct((NUM_OPS, EMB), jnp.float32),
            jax.ShapeDtypeStruct((3 * NUM_BW, EMB), jnp.float32),
        ),
    )(op_table, param_table, W1, b1.reshape(1, EMB))



def _sc_gather(op2d, top):
    info = plsc.get_sparse_core_info()
    nc, ns = info.num_cores, info.num_subcores
    nw = nc * ns
    ch = 128
    nchunks = BATCH // ch
    steps = nchunks // nw

    mesh = plsc.VectorSubcoreMesh(core_axis_name="c", subcore_axis_name="s")

    @functools.partial(
        pl.kernel,
        mesh=mesh,
        out_type=jax.ShapeDtypeStruct((BATCH, EMB), jnp.float32),
        scratch_types=[
            pltpu.VMEM((steps, ch), jnp.int32),
            pltpu.VMEM((ch, EMB), jnp.float32),
            pltpu.VMEM((ch, EMB), jnp.float32),
            pltpu.VMEM((ch, EMB), jnp.float32),
            pltpu.VMEM((ch, EMB), jnp.float32),
            pltpu.SemaphoreType.DMA,
            pltpu.SemaphoreType.DMA,
        ],
    )
    def k(op_hbm, top_hbm, out_hbm, idx, b0, b1_, b2_, b3_, gsem, ssem):
        wid = lax.axis_index("s") * nc + lax.axis_index("c")
        chunk0 = wid * steps
        pltpu.sync_copy(op_hbm.at[pl.ds(chunk0, steps)], idx)
        bufs = (b0, b1_, b2_, b3_)
        gathers = [None] * steps
        stores = [None] * steps
        for s in range(steps):
            gathers[s] = pltpu.async_copy(top_hbm.at[idx.at[s]], bufs[s], gsem)
        for s in range(steps):
            gathers[s].wait()
            base = (chunk0 + s) * ch
            stores[s] = pltpu.async_copy(
                bufs[s], out_hbm.at[pl.ds(base, ch)], ssem)
        for s in range(steps):
            stores[s].wait()

    return k(op2d, top)



def _mlp2_body(h_ref, p_ref, tcat_ref, w2_ref, b2_ref, o_ref):
    blk = h_ref.shape[0]
    p = p_ref[0]
    io = lax.broadcasted_iota(jnp.int32, (3 * NUM_BW, blk), 0)
    hit = ((io == p[0:1, :]) | (io == p[1:2, :]) | (io == p[2:3, :]))
    oh_t = hit.astype(jnp.float32)
    hp = lax.dot_general(oh_t, tcat_ref[...],
                         (((0,), (0,)), ((), ())),
                         preferred_element_type=jnp.float32)
    h = jnp.maximum(h_ref[...] + hp, 0.0)
    o_ref[...] = jnp.dot(h, w2_ref[...],
                         preferred_element_type=jnp.float32) + b2_ref[...]


def _mlp2(h_op, params3d, tcat, W2, b2):
    blk = 8192
    nblk = BATCH // blk
    return pl.pallas_call(
        _mlp2_body,
        grid=(nblk,),
        in_specs=[
            pl.BlockSpec((blk, EMB), lambda i: (i, 0)),
            pl.BlockSpec((1, 3, blk), lambda i: (i, 0, 0)),
            pl.BlockSpec((3 * NUM_BW, EMB), lambda i: (0, 0)),
            pl.BlockSpec((EMB, EMB), lambda i: (0, 0)),
            pl.BlockSpec((1, EMB), lambda i: (0, 0)),
        ],
        out_specs=pl.BlockSpec((blk, EMB), lambda i: (i, 0)),
        out_shape=jax.ShapeDtypeStruct((BATCH, EMB), jnp.float32),
    )(h_op, params3d, tcat, W2, b2.reshape(1, EMB))


def kernel(op, params, op_table, param_table, W1, b1, W2, b2):
    blk = 8192
    op2d = op.astype(jnp.int32).reshape(BATCH // 128, 128)
    shift = jnp.array([0, NUM_BW, 2 * NUM_BW], dtype=jnp.int32)[:, None]
    params3d = (params.astype(jnp.int32) + shift).reshape(
        3, BATCH // blk, blk).transpose(1, 0, 2)
    top, tcat = _transform_tables(op_table, param_table, W1, b1)
    h_op = _sc_gather(op2d, top)
    return _mlp2(h_op, params3d, tcat, W2, b2)

# --- scband reference (transcript-rebuilt; emitter-appended) ---
"""Pipeline reference for scband-op-emb-5738076307897 (READ-ONLY COPY).

The authoritative reference and input builder live on the scoring server;
editing this copy changes nothing except your own understanding.
"""

import jax, jax.numpy as jnp
import numpy as np

NUM_OPS = 1000
NUM_BITWIDTHS = 32
MAX_NUM_PARAMS = 3
EMB = 128
BATCH = 16384


def setup_inputs(seed: int = 0) -> dict:
    key = jax.random.key(seed)
    ks = jax.random.split(key, 8)
    op = jax.random.randint(ks[0], (BATCH,), 0, NUM_OPS)
    params = jax.random.randint(ks[1], (MAX_NUM_PARAMS, BATCH), 0, NUM_BITWIDTHS)
    op_table = jax.random.normal(ks[2], (NUM_OPS, EMB), dtype=jnp.float32) * 0.02
    param_table = jax.random.normal(ks[3], (NUM_BITWIDTHS, EMB), dtype=jnp.float32) * 0.02
    W1 = jax.random.normal(ks[4], (EMB * (1 + MAX_NUM_PARAMS), EMB), dtype=jnp.float32) * 0.02
    b1 = jnp.zeros((EMB,), dtype=jnp.float32)
    W2 = jax.random.normal(ks[5], (EMB, EMB), dtype=jnp.float32) * 0.02
    b2 = jnp.zeros((EMB,), dtype=jnp.float32)
    return {"op": op, "params": params, "op_table": op_table, "param_table": param_table,
            "W1": W1, "b1": b1, "W2": W2, "b2": b2}


def reference(op, params, op_table, param_table, W1, b1, W2, b2):
    op_emb = jnp.take(op_table, op, axis=0)
    param_embs = [jnp.take(param_table, params[i], axis=0) for i in range(MAX_NUM_PARAMS)]
    x = jnp.concatenate([op_emb] + param_embs, axis=1)
    h = jax.nn.relu(x @ W1 + b1)
    return h @ W2 + b2

if __name__ == "__main__":
    import jax
    _d = setup_inputs()
    print(jax.jit(kernel)(*tuple(_d.values())))

</pallas_src>

<mosaic_0001>
#map = affine_map<(d0, d1) -> (0, 0)>
module attributes {stable_mosaic.version = 14 : i64} {
  func.func @k(%arg0: i32, %arg1: i32, %arg2: memref<128x128xi32, #tpu.memory_space<hbm>>, %arg3: memref<1000x128xf32, #tpu.memory_space<hbm>>, %arg4: memref<16384x128xf32, #tpu.memory_space<hbm>>, %arg5: memref<4x128xi32, #tpu.memory_space<vmem>>, %arg6: memref<128x128xf32, #tpu.memory_space<vmem>>, %arg7: memref<128x128xf32, #tpu.memory_space<vmem>>, %arg8: memref<128x128xf32, #tpu.memory_space<vmem>>, %arg9: memref<128x128xf32, #tpu.memory_space<vmem>>, %arg10: memref<!tpu.dma_semaphore, #tpu.memory_space<semaphore_mem>>, %arg11: memref<!tpu.dma_semaphore, #tpu.memory_space<semaphore_mem>>) attributes {dimension_semantics = [#tpu.dimension_semantics<core_parallel>, #tpu.dimension_semantics<subcore_parallel>], iteration_bounds = array<i64: 2, 16>, scalar_prefetch = 0 : i64, scratch_operands = 7 : i64, tpu.core_type = #tpu.core_type<sc_vector_subcore>, window_params = [{transform_indices = #map}, {transform_indices = #map}, {transform_indices = #map}]} {
    %mul3A = arith.constant 2 : i32
    %mul3A_0 = arith.muli %arg1, %mul3A : i32
    %add3A = arith.addi %mul3A_0, %arg0 : i32
    %mul3A_1 = arith.constant 4 : i32
    %mul3A_2 = arith.muli %add3A, %mul3A_1 : i32
    "tpu.region"() ({
      %run_scoped3A = tpu.sem_alloc : memref<!tpu.dma_semaphore, #tpu.memory_space<semaphore_mem>>
      %dma_start3A_105 = arith.constant 0 : i32
      %dma_start3A_106 = tpu.memref_slice %arg2[%mul3A_2, %dma_start3A_105] : memref<128x128xi32, #tpu.memory_space<hbm>> -> memref<4x128xi32, #tpu.memory_space<hbm>>
      %dma_start3A_107 = arith.constant 0 : i32
      %dma_start3A_108 = tpu.memref_slice %arg2[%mul3A_2, %dma_start3A_107] : memref<128x128xi32, #tpu.memory_space<hbm>> -> memref<4x128xi32, #tpu.memory_space<hbm>>
      tpu.enqueue_dma source(%dma_start3A_108 : memref<4x128xi32, #tpu.memory_space<hbm>>) target(%arg5 : memref<4x128xi32, #tpu.memory_space<vmem>>) target_semaphore(%run_scoped3A : memref<!tpu.dma_semaphore, #tpu.memory_space<semaphore_mem>>)
      %dma_wait3A_109 = arith.constant 0 : i32
      %dma_wait3A_110 = tpu.memref_slice %arg2[%mul3A_2, %dma_wait3A_109] : memref<128x128xi32, #tpu.memory_space<hbm>> -> memref<4x128xi32, #tpu.memory_space<hbm>>
      %dma_wait3A_111 = arith.constant 0 : i32
      %dma_wait3A_112 = tpu.memref_slice %arg2[%mul3A_2, %dma_wait3A_111] : memref<128x128xi32, #tpu.memory_space<hbm>> -> memref<4x128xi32, #tpu.memory_space<hbm>>
      tpu.wait_dma2 semaphore(%run_scoped3A : memref<!tpu.dma_semaphore, #tpu.memory_space<semaphore_mem>>) src(%dma_wait3A_112 : memref<4x128xi32, #tpu.memory_space<hbm>>) dst(%arg5 : memref<4x128xi32, #tpu.memory_space<vmem>>)
      tpu.yield
    }) : () -> ()
    %dma_start3A = arith.constant 0 : i32
    %dma_start3A_3 = arith.constant 0 : i32
    %dma_start3A_4 = tpu.memref_slice %arg5[%dma_start3A, %dma_start3A_3] : memref<4x128xi32, #tpu.memory_space<vmem>> -> memref<1x128xi32, #tpu.memory_space<vmem>>
    %dma_start3A_5 = tpu.memref_squeeze %dma_start3A_4 : memref<1x128xi32, #tpu.memory_space<vmem>> -> memref<128xi32, #tpu.memory_space<vmem>>
    %dma_start3A_6 = arith.constant 0 : i32
    %dma_start3A_7 = arith.constant 0 : i32
    %dma_start3A_8 = tpu.memref_slice %arg3[%dma_start3A_6, %dma_start3A_7] : memref<1000x128xf32, #tpu.memory_space<hbm>> -> memref<1000x128xf32, #tpu.memory_space<hbm>>
    tpu.enqueue_indirect_dma source(%dma_start3A_8 : memref<1000x128xf32, #tpu.memory_space<hbm>>) target(%arg6 : memref<128x128xf32, #tpu.memory_space<vmem>>) offsets(%dma_start3A_5 : memref<128xi32, #tpu.memory_space<vmem>>) semaphore(%arg10 : memref<!tpu.dma_semaphore, #tpu.memory_space<semaphore_mem>>)
    %dma_start3A_9 = arith.constant 1 : i32
    %dma_start3A_10 = arith.constant 0 : i32
    %dma_start3A_11 = tpu.memref_slice %arg5[%dma_start3A_9, %dma_start3A_10] : memref<4x128xi32, #tpu.memory_space<vmem>> -> memref<1x128xi32, #tpu.memory_space<vmem>>
    %dma_start3A_12 = tpu.memref_squeeze %dma_start3A_11 : memref<1x128xi32, #tpu.memory_space<vmem>> -> memref<128xi32, #tpu.memory_space<vmem>>
    %dma_start3A_13 = arith.constant 0 : i32
    %dma_start3A_14 = arith.constant 0 : i32
    %dma_start3A_15 = tpu.memref_slice %arg3[%dma_start3A_13, %dma_start3A_14] : memref<1000x128xf32, #tpu.memory_space<hbm>> -> memref<1000x128xf32, #tpu.memory_space<hbm>>
    tpu.enqueue_indirect_dma source(%dma_start3A_15 : memref<1000x128xf32, #tpu.memory_space<hbm>>) target(%arg7 : memref<128x128xf32, #tpu.memory_space<vmem>>) offsets(%dma_start3A_12 : memref<128xi32, #tpu.memory_space<vmem>>) semaphore(%arg10 : memref<!tpu.dma_semaphore, #tpu.memory_space<semaphore_mem>>)
    %dma_start3A_16 = arith.constant 2 : i32
    %dma_start3A_17 = arith.constant 0 : i32
    %dma_start3A_18 = tpu.memref_slice %arg5[%dma_start3A_16, %dma_start3A_17] : memref<4x128xi32, #tpu.memory_space<vmem>> -> memref<1x128xi32, #tpu.memory_space<vmem>>
    %dma_start3A_19 = tpu.memref_squeeze %dma_start3A_18 : memref<1x128xi32, #tpu.memory_space<vmem>> -> memref<128xi32, #tpu.memory_space<vmem>>
    %dma_start3A_20 = arith.constant 0 : i32
    %dma_start3A_21 = arith.constant 0 : i32
    %dma_start3A_22 = tpu.memref_slice %arg3[%dma_start3A_20, %dma_start3A_21] : memref<1000x128xf32, #tpu.memory_space<hbm>> -> memref<1000x128xf32, #tpu.memory_space<hbm>>
    tpu.enqueue_indirect_dma source(%dma_start3A_22 : memref<1000x128xf32, #tpu.memory_space<hbm>>) target(%arg8 : memref<128x128xf32, #tpu.memory_space<vmem>>) offsets(%dma_start3A_19 : memref<128xi32, #tpu.memory_space<vmem>>) semaphore(%arg10 : memref<!tpu.dma_semaphore, #tpu.memory_space<semaphore_mem>>)
    %dma_start3A_23 = arith.constant 3 : i32
    %dma_start3A_24 = arith.constant 0 : i32
    %dma_start3A_25 = tpu.memref_slice %arg5[%dma_start3A_23, %dma_start3A_24] : memref<4x128xi32, #tpu.memory_space<vmem>> -> memref<1x128xi32, #tpu.memory_space<vmem>>
    %dma_start3A_26 = tpu.memref_squeeze %dma_start3A_25 : memref<1x128xi32, #tpu.memory_space<vmem>> -> memref<128xi32, #tpu.memory_space<vmem>>
    %dma_start3A_27 = arith.constant 0 : i32
    %dma_start3A_28 = arith.constant 0 : i32
    %dma_start3A_29 = tpu.memref_slice %arg3[%dma_start3A_27, %dma_start3A_28] : memref<1000x128xf32, #tpu.memory_space<hbm>> -> memref<1000x128xf32, #tpu.memory_space<hbm>>
    tpu.enqueue_indirect_dma source(%dma_start3A_29 : memref<1000x128xf32, #tpu.memory_space<hbm>>) target(%arg9 : memref<128x128xf32, #tpu.memory_space<vmem>>) offsets(%dma_start3A_26 : memref<128xi32, #tpu.memory_space<vmem>>) semaphore(%arg10 : memref<!tpu.dma_semaphore, #tpu.memory_space<semaphore_mem>>)
    %dma_wait3A = arith.constant 0 : i32
    %dma_wait3A_30 = arith.constant 0 : i32
    %dma_wait3A_31 = tpu.memref_slice %arg5[%dma_wait3A, %dma_wait3A_30] : memref<4x128xi32, #tpu.memory_space<vmem>> -> memref<1x128xi32, #tpu.memory_space<vmem>>
    %dma_wait3A_32 = tpu.memref_squeeze %dma_wait3A_31 : memref<1x128xi32, #tpu.memory_space<vmem>> -> memref<128xi32, #tpu.memory_space<vmem>>
    %dma_wait3A_33 = arith.constant 0 : i32
    %dma_wait3A_34 = arith.constant 0 : i32
    %dma_wait3A_35 = tpu.memref_slice %arg3[%dma_wait3A_33, %dma_wait3A_34] : memref<1000x128xf32, #tpu.memory_space<hbm>> -> memref<1000x128xf32, #tpu.memory_space<hbm>>
    tpu.wait_indirect_dma semaphore(%arg10 : memref<!tpu.dma_semaphore, #tpu.memory_space<semaphore_mem>>) src(%dma_wait3A_35 : memref<1000x128xf32, #tpu.memory_space<hbm>>) dst(%arg6 : memref<128x128xf32, #tpu.memory_space<vmem>>)
    %add3A_36 = arith.constant 0 : i32
    %add3A_37 = arith.addi %mul3A_2, %add3A_36 : i32
    %mul3A_38 = arith.constant 128 : i32
    %mul3A_39 = arith.muli %add3A_37, %mul3A_38 : i32
    %dma_start3A_40 = arith.constant 0 : i32
    %dma_start3A_41 = tpu.memref_slice %arg4[%mul3A_39, %dma_start3A_40] : memref<16384x128xf32, #tpu.memory_space<hbm>> -> memref<128x128xf32, #tpu.memory_space<hbm>>
    %dma_start3A_42 = arith.constant 0 : i32
    %dma_start3A_43 = tpu.memref_slice %arg4[%mul3A_39, %dma_start3A_42] : memref<16384x128xf32, #tpu.memory_space<hbm>> -> memref<128x128xf32, #tpu.memory_space<hbm>>
    tpu.enqueue_dma source(%arg6 : memref<128x128xf32, #tpu.memory_space<vmem>>) target(%dma_start3A_43 : memref<128x128xf32, #tpu.memory_space<hbm>>) target_semaphore(%arg11 : memref<!tpu.dma_semaphore, #tpu.memory_space<semaphore_mem>>)
    %dma_wait3A_44 = arith.constant 1 : i32
    %dma_wait3A_45 = arith.constant 0 : i32
    %dma_wait3A_46 = tpu.memref_slice %arg5[%dma_wait3A_44, %dma_wait3A_45] : memref<4x128xi32, #tpu.memory_space<vmem>> -> memref<1x128xi32, #tpu.memory_space<vmem>>
    %dma_wait3A_47 = tpu.memref_squeeze %dma_wait3A_46 : memref<1x128xi32, #tpu.memory_space<vmem>> -> memref<128xi32, #tpu.memory_space<vmem>>
    %dma_wait3A_48 = arith.constant 0 : i32
    %dma_wait3A_49 = arith.constant 0 : i32
    %dma_wait3A_50 = tpu.memref_slice %arg3[%dma_wait3A_48, %dma_wait3A_49] : memref<1000x128xf32, #tpu.memory_space<hbm>> -> memref<1000x128xf32, #tpu.memory_space<hbm>>
    tpu.wait_indirect_dma semaphore(%arg10 : memref<!tpu.dma_semaphore, #tpu.memory_space<semaphore_mem>>) src(%dma_wait3A_50 : memref<1000x128xf32, #tpu.memory_space<hbm>>) dst(%arg7 : memref<128x128xf32, #tpu.memory_space<vmem>>)
    %add3A_51 = arith.constant 1 : i32
    %add3A_52 = arith.addi %mul3A_2, %add3A_51 : i32
    %mul3A_53 = arith.constant 128 : i32
    %mul3A_54 = arith.muli %add3A_52, %mul3A_53 : i32
    %dma_start3A_55 = arith.constant 0 : i32
    %dma_start3A_56 = tpu.memref_slice %arg4[%mul3A_54, %dma_start3A_55] : memref<16384x128xf32, #tpu.memory_space<hbm>> -> memref<128x128xf32, #tpu.memory_space<hbm>>
    %dma_start3A_57 = arith.constant 0 : i32
    %dma_start3A_58 = tpu.memref_slice %arg4[%mul3A_54, %dma_start3A_57] : memref<16384x128xf32, #tpu.memory_space<hbm>> -> memref<128x128xf32, #tpu.memory_space<hbm>>
    tpu.enqueue_dma source(%arg7 : memref<128x128xf32, #tpu.memory_space<vmem>>) target(%dma_start3A_58 : memref<128x128xf32, #tpu.memory_space<hbm>>) target_semaphore(%arg11 : memref<!tpu.dma_semaphore, #tpu.memory_space<semaphore_mem>>)
    %dma_wait3A_59 = arith.constant 2 : i32
    %dma_wait3A_60 = arith.constant 0 : i32
    %dma_wait3A_61 = tpu.memref_slice %arg5[%dma_wait3A_59, %dma_wait3A_60] : memref<4x128xi32, #tpu.memory_space<vmem>> -> memref<1x128xi32, #tpu.memory_space<vmem>>
    %dma_wait3A_62 = tpu.memref_squeeze %dma_wait3A_61 : memref<1x128xi32, #tpu.memory_space<vmem>> -> memref<128xi32, #tpu.memory_space<vmem>>
    %dma_wait3A_63 = arith.constant 0 : i32
    %dma_wait3A_64 = arith.constant 0 : i32
    %dma_wait3A_65 = tpu.memref_slice %arg3[%dma_wait3A_63, %dma_wait3A_64] : memref<1000x128xf32, #tpu.memory_space<hbm>> -> memref<1000x128xf32, #tpu.memory_space<hbm>>
    tpu.wait_indirect_dma semaphore(%arg10 : memref<!tpu.dma_semaphore, #tpu.memory_space<semaphore_mem>>) src(%dma_wait3A_65 : memref<1000x128xf32, #tpu.memory_space<hbm>>) dst(%arg8 : memref<128x128xf32, #tpu.memory_space<vmem>>)
    %add3A_66 = arith.constant 2 : i32
    %add3A_67 = arith.addi %mul3A_2, %add3A_66 : i32
    %mul3A_68 = arith.constant 128 : i32
    %mul3A_69 = arith.muli %add3A_67, %mul3A_68 : i32
    %dma_start3A_70 = arith.constant 0 : i32
    %dma_start3A_71 = tpu.memref_slice %arg4[%mul3A_69, %dma_start3A_70] : memref<16384x128xf32, #tpu.memory_space<hbm>> -> memref<128x128xf32, #tpu.memory_space<hbm>>
    %dma_start3A_72 = arith.constant 0 : i32
    %dma_start3A_73 = tpu.memref_slice %arg4[%mul3A_69, %dma_start3A_72] : memref<16384x128xf32, #tpu.memory_space<hbm>> -> memref<128x128xf32, #tpu.memory_space<hbm>>
    tpu.enqueue_dma source(%arg8 : memref<128x128xf32, #tpu.memory_space<vmem>>) target(%dma_start3A_73 : memref<128x128xf32, #tpu.memory_space<hbm>>) target_semaphore(%arg11 : memref<!tpu.dma_semaphore, #tpu.memory_space<semaphore_mem>>)
    %dma_wait3A_74 = arith.constant 3 : i32
    %dma_wait3A_75 = arith.constant 0 : i32
    %dma_wait3A_76 = tpu.memref_slice %arg5[%dma_wait3A_74, %dma_wait3A_75] : memref<4x128xi32, #tpu.memory_space<vmem>> -> memref<1x128xi32, #tpu.memory_space<vmem>>
    %dma_wait3A_77 = tpu.memref_squeeze %dma_wait3A_76 : memref<1x128xi32, #tpu.memory_space<vmem>> -> memref<128xi32, #tpu.memory_space<vmem>>
    %dma_wait3A_78 = arith.constant 0 : i32
    %dma_wait3A_79 = arith.constant 0 : i32
    %dma_wait3A_80 = tpu.memref_slice %arg3[%dma_wait3A_78, %dma_wait3A_79] : memref<1000x128xf32, #tpu.memory_space<hbm>> -> memref<1000x128xf32, #tpu.memory_space<hbm>>
    tpu.wait_indirect_dma semaphore(%arg10 : memref<!tpu.dma_semaphore, #tpu.memory_space<semaphore_mem>>) src(%dma_wait3A_80 : memref<1000x128xf32, #tpu.memory_space<hbm>>) dst(%arg9 : memref<128x128xf32, #tpu.memory_space<vmem>>)
    %add3A_81 = arith.constant 3 : i32
    %add3A_82 = arith.addi %mul3A_2, %add3A_81 : i32
    %mul3A_83 = arith.constant 128 : i32
    %mul3A_84 = arith.muli %add3A_82, %mul3A_83 : i32
    %dma_start3A_85 = arith.constant 0 : i32
    %dma_start3A_86 = tpu.memref_slice %arg4[%mul3A_84, %dma_start3A_85] : memref<16384x128xf32, #tpu.memory_space<hbm>> -> memref<128x128xf32, #tpu.memory_space<hbm>>
    %dma_start3A_87 = arith.constant 0 : i32
    %dma_start3A_88 = tpu.memref_slice %arg4[%mul3A_84, %dma_start3A_87] : memref<16384x128xf32, #tpu.memory_space<hbm>> -> memref<128x128xf32, #tpu.memory_space<hbm>>
    tpu.enqueue_dma source(%arg9 : memref<128x128xf32, #tpu.memory_space<vmem>>) target(%dma_start3A_88 : memref<128x128xf32, #tpu.memory_space<hbm>>) target_semaphore(%arg11 : memref<!tpu.dma_semaphore, #tpu.memory_space<semaphore_mem>>)
    %dma_wait3A_89 = arith.constant 0 : i32
    %dma_wait3A_90 = tpu.memref_slice %arg4[%mul3A_39, %dma_wait3A_89] : memref<16384x128xf32, #tpu.memory_space<hbm>> -> memref<128x128xf32, #tpu.memory_space<hbm>>
    %dma_wait3A_91 = arith.constant 0 : i32
    %dma_wait3A_92 = tpu.memref_slice %arg4[%mul3A_39, %dma_wait3A_91] : memref<16384x128xf32, #tpu.memory_space<hbm>> -> memref<128x128xf32, #tpu.memory_space<hbm>>
    tpu.wait_dma2 semaphore(%arg11 : memref<!tpu.dma_semaphore, #tpu.memory_space<semaphore_mem>>) src(%arg6 : memref<128x128xf32, #tpu.memory_space<vmem>>) dst(%dma_wait3A_92 : memref<128x128xf32, #tpu.memory_space<hbm>>)
    %dma_wait3A_93 = arith.constant 0 : i32
    %dma_wait3A_94 = tpu.memref_slice %arg4[%mul3A_54, %dma_wait3A_93] : memref<16384x128xf32, #tpu.memory_space<hbm>> -> memref<128x128xf32, #tpu.memory_space<hbm>>
    %dma_wait3A_95 = arith.constant 0 : i32
    %dma_wait3A_96 = tpu.memref_slice %arg4[%mul3A_54, %dma_wait3A_95] : memref<16384x128xf32, #tpu.memory_space<hbm>> -> memref<128x128xf32, #tpu.memory_space<hbm>>
    tpu.wait_dma2 semaphore(%arg11 : memref<!tpu.dma_semaphore, #tpu.memory_space<semaphore_mem>>) src(%arg7 : memref<128x128xf32, #tpu.memory_space<vmem>>) dst(%dma_wait3A_96 : memref<128x128xf32, #tpu.memory_space<hbm>>)
    %dma_wait3A_97 = arith.constant 0 : i32
    %dma_wait3A_98 = tpu.memref_slice %arg4[%mul3A_69, %dma_wait3A_97] : memref<16384x128xf32, #tpu.memory_space<hbm>> -> memref<128x128xf32, #tpu.memory_space<hbm>>
    %dma_wait3A_99 = arith.constant 0 : i32
    %dma_wait3A_100 = tpu.memref_slice %arg4[%mul3A_69, %dma_wait3A_99] : memref<16384x128xf32, #tpu.memory_space<hbm>> -> memref<128x128xf32, #tpu.memory_space<hbm>>
    tpu.wait_dma2 semaphore(%arg11 : memref<!tpu.dma_semaphore, #tpu.memory_space<semaphore_mem>>) src(%arg8 : memref<128x128xf32, #tpu.memory_space<vmem>>) dst(%dma_wait3A_100 : memref<128x128xf32, #tpu.memory_space<hbm>>)
    %dma_wait3A_101 = arith.constant 0 : i32
    %dma_wait3A_102 = tpu.memref_slice %arg4[%mul3A_84, %dma_wait3A_101] : memref<16384x128xf32, #tpu.memory_space<hbm>> -> memref<128x128xf32, #tpu.memory_space<hbm>>
    %dma_wait3A_103 = arith.constant 0 : i32
    %dma_wait3A_104 = tpu.memref_slice %arg4[%mul3A_84, %dma_wait3A_103] : memref<16384x128xf32, #tpu.memory_space<hbm>> -> memref<128x128xf32, #tpu.memory_space<hbm>>
    tpu.wait_dma2 semaphore(%arg11 : memref<!tpu.dma_semaphore, #tpu.memory_space<semaphore_mem>>) src(%arg9 : memref<128x128xf32, #tpu.memory_space<vmem>>) dst(%dma_wait3A_104 : memref<128x128xf32, #tpu.memory_space<hbm>>)
    return
  }
}

module attributes {stable_mosaic.version = 14 : i64} {
  func.func @_tables_body(%arg0: memref<1000x128xf32, #tpu.memory_space<vmem>>, %arg1: memref<32x128xf32, #tpu.memory_space<vmem>>, %arg2: memref<512x128xf32, #tpu.memory_space<vmem>>, %arg3: memref<1x128xf32, #tpu.memory_space<vmem>>, %arg4: memref<1000x128xf32, #tpu.memory_space<vmem>>, %arg5: memref<96x128xf32, #tpu.memory_space<vmem>>) attributes {dimension_semantics = [], scalar_prefetch = 0 : i64, scratch_operands = 0 : i64, tpu.core_type = #tpu.core_type<tc>} {
    %get3A = arith.constant 0 : index
    %get3A_0 = arith.constant 0 : index
    %get3A_1 = vector.load %arg2[%get3A, %get3A_0] : memref<512x128xf32, #tpu.memory_space<vmem>>, vector<512x128xf32>
    %get3A_2 = arith.constant 0 : index
    %get3A_3 = arith.constant 0 : index
    %get3A_4 = vector.load %arg0[%get3A_2, %get3A_3] : memref<1000x128xf32, #tpu.memory_space<vmem>>, vector<1000x128xf32>
    %slice3A = vector.extract_strided_slice %get3A_1 {offsets = [0, 0], sizes = [128, 128], strides = [1, 1]} : vector<512x128xf32> to vector<128x128xf32>
    %dot_general3A = arith.constant dense<0.000000e+00> : vector<1000x128xf32>
    %dot_general3A_5 = tpu.matmul %get3A_4, %slice3A, %dot_general3A {dimension_numbers = #tpu.dot_dimension_numbers<[1], [0], [0], [1], [0, 0, 1, 1], [], []>, transpose_lhs_hint = false} : vector<1000x128xf32>, vector<128x128xf32>, vector<1000x128xf32> -> vector<1000x128xf32>
    %get3A_6 = arith.constant 0 : index
    %get3A_7 = arith.constant 0 : index
    %get3A_8 = vector.load %arg3[%get3A_6, %get3A_7] : memref<1x128xf32, #tpu.memory_space<vmem>>, vector<1x128xf32>
    %add3A = vector.broadcast %get3A_8 : vector<1x128xf32> to vector<1000x128xf32>
    %add3A_9 = arith.addf %dot_general3A_5, %add3A : vector<1000x128xf32>
    %swap3A = arith.constant 0 : index
    %swap3A_10 = arith.constant 0 : index
    %swap3A_11 = vector.load %arg4[%swap3A, %swap3A_10] : memref<1000x128xf32, #tpu.memory_space<vmem>>, vector<1000x128xf32>
    tpu.vector_store %arg4[%swap3A, %swap3A_10], %add3A_9 {strides = array<i32>} : memref<1000x128xf32, #tpu.memory_space<vmem>>, vector<1000x128xf32>,
    %get3A_12 = arith.constant 0 : index
    %get3A_13 = arith.constant 0 : index
    %get3A_14 = vector.load %arg1[%get3A_12, %get3A_13] : memref<32x128xf32, #tpu.memory_space<vmem>>, vector<32x128xf32>
    %slice3A_15 = vector.extract_strided_slice %get3A_1 {offsets = [128, 0], sizes = [128, 128], strides = [1, 1]} : vector<512x128xf32> to vector<128x128xf32>
    %dot_general3A_16 = arith.constant dense<0.000000e+00> : vector<32x128xf32>
    %dot_general3A_17 = tpu.matmul %get3A_14, %slice3A_15, %dot_general3A_16 {dimension_numbers = #tpu.dot_dimension_numbers<[1], [0], [0], [1], [0, 0, 1, 1], [], []>, transpose_lhs_hint = false} : vector<32x128xf32>, vector<128x128xf32>, vector<32x128xf32> -> vector<32x128xf32>
    %swap3A_18 = arith.constant 0 : index
    %swap3A_19 = arith.constant 0 : index
    %swap3A_20 = vector.load %arg5[%swap3A_18, %swap3A_19] : memref<96x128xf32, #tpu.memory_space<vmem>>, vector<32x128xf32>
    tpu.vector_store %arg5[%swap3A_18, %swap3A_19], %dot_general3A_17 {strides = array<i32>} : memref<96x128xf32, #tpu.memory_space<vmem>>, vector<32x128xf32>,
    %slice3A_21 = vector.extract_strided_slice %get3A_1 {offsets = [256, 0], sizes = [128, 128], strides = [1, 1]} : vector<512x128xf32> to vector<128x128xf32>
    %dot_general3A_22 = arith.constant dense<0.000000e+00> : vector<32x128xf32>
    %dot_general3A_23 = tpu.matmul %get3A_14, %slice3A_21, %dot_general3A_22 {dimension_numbers = #tpu.dot_dimension_numbers<[1], [0], [0], [1], [0, 0, 1, 1], [], []>, transpose_lhs_hint = false} : vector<32x128xf32>, vector<128x128xf32>, vector<32x128xf32> -> vector<32x128xf32>
    %swap3A_24 = arith.constant 32 : index
    %swap3A_25 = arith.constant 0 : index
    %swap3A_26 = vector.load %arg5[%swap3A_24, %swap3A_25] : memref<96x128xf32, #tpu.memory_space<vmem>>, vector<32x128xf32>
    tpu.vector_store %arg5[%swap3A_24, %swap3A_25], %dot_general3A_23 {strides = array<i32>} : memref<96x128xf32, #tpu.memory_space<vmem>>, vector<32x128xf32>,
    %slice3A_27 = vector.extract_strided_slice %get3A_1 {offsets = [384, 0], sizes = [128, 128], strides = [1, 1]} : vector<512x128xf32> to vector<128x128xf32>
    %dot_general3A_28 = arith.constant dense<0.000000e+00> : vector<32x128xf32>
    %dot_general3A_29 = tpu.matmul %get3A_14, %slice3A_27, %dot_general3A_28 {dimension_numbers = #tpu.dot_dimension_numbers<[1], [0], [0], [1], [0, 0, 1, 1], [], []>, transpose_lhs_hint = false} : vector<32x128xf32>, vector<128x128xf32>, vector<32x128xf32> -> vector<32x128xf32>
    %swap3A_30 = arith.constant 64 : index
    %swap3A_31 = arith.constant 0 : index
    %swap3A_32 = vector.load %arg5[%swap3A_30, %swap3A_31] : memref<96x128xf32, #tpu.memory_space<vmem>>, vector<32x128xf32>
    tpu.vector_store %arg5[%swap3A_30, %swap3A_31], %dot_general3A_29 {strides = array<i32>} : memref<96x128xf32, #tpu.memory_space<vmem>>, vector<32x128xf32>,
    return
  }
}

module attributes {stable_mosaic.version = 14 : i64} {
  func.func @_mlp2_body(%arg0: i32, %arg1: memref<8192x128xf32, #tpu.memory_space<vmem>>, %arg2: memref<1x3x8192xi32, #tpu.memory_space<vmem>>, %arg3: memref<96x128xf32, #tpu.memory_space<vmem>>, %arg4: memref<128x128xf32, #tpu.memory_space<vmem>>, %arg5: memref<1x128xf32, #tpu.memory_space<vmem>>, %arg6: memref<8192x128xf32, #tpu.memory_space<vmem>>) attributes {dimension_semantics = [#tpu.dimension_semantics<arbitrary>], iteration_bounds = array<i64: 2>, scalar_prefetch = 0 : i64, scratch_operands = 0 : i64, tpu.core_type = #tpu.core_type<tc>, window_params = [{transform_indices = @transform_0, window_bounds = array<i64: 8192, 128>}, {transform_indices = @transform_1, window_bounds = array<i64: 1, 3, 8192>}, {pipeline_mode = #tpu.pipeline_mode<synchronous>, transform_indices = @transform_2, window_bounds = array<i64: 96, 128>}, {pipeline_mode = #tpu.pipeline_mode<synchronous>, transform_indices = @transform_3, window_bounds = array<i64: 128, 128>}, {pipeline_mode = #tpu.pipeline_mode<synchronous>, transform_indices = @transform_4, window_bounds = array<i64: 1, 128>}, {transform_indices = @transform_5, window_bounds = array<i64: 8192, 128>}]} {
    %get3A = arith.constant 0 : index
    %get3A_0 = arith.constant 0 : index
    %get3A_1 = arith.constant 0 : index
    %get3A_2 = vector.load %arg2[%get3A, %get3A_0, %get3A_1] : memref<1x3x8192xi32, #tpu.memory_space<vmem>>, vector<1x3x8192xi32>
    %get3A_3 = vector.shape_cast %get3A_2 : vector<1x3x8192xi32> to vector<3x8192xi32>
    %iota3A = tpu.iota {dimensions = array<i32: 0>} : vector<96x8192xi32>
    %slice3A = vector.extract_strided_slice %get3A_3 {offsets = [0, 0], sizes = [1, 8192], strides = [1, 1]} : vector<3x8192xi32> to vector<1x8192xi32>
    %eq3A = vector.broadcast %slice3A : vector<1x8192xi32> to vector<96x8192xi32>
    %eq3A_4 = arith.cmpi eq, %iota3A, %eq3A : vector<96x8192xi32>
    %slice3A_5 = vector.extract_strided_slice %get3A_3 {offsets = [1, 0], sizes = [1, 8192], strides = [1, 1]} : vector<3x8192xi32> to vector<1x8192xi32>
    %eq3A_6 = vector.broadcast %slice3A_5 : vector<1x8192xi32> to vector<96x8192xi32>
    %eq3A_7 = arith.cmpi eq, %iota3A, %eq3A_6 : vector<96x8192xi32>
    %or3A = arith.ori %eq3A_4, %eq3A_7 : vector<96x8192xi1>
    %slice3A_8 = vector.extract_strided_slice %get3A_3 {offsets = [2, 0], sizes = [1, 8192], strides = [1, 1]} : vector<3x8192xi32> to vector<1x8192xi32>
    %eq3A_9 = vector.broadcast %slice3A_8 : vector<1x8192xi32> to vector<96x8192xi32>
    %eq3A_10 = arith.cmpi eq, %iota3A, %eq3A_9 : vector<96x8192xi32>
    %or3A_11 = arith.ori %or3A, %eq3A_10 : vector<96x8192xi1>
    %convert_element_type3A = arith.extui %or3A_11 : vector<96x8192xi1> to vector<96x8192xi32>
    %convert_element_type3A_12 = arith.sitofp %convert_element_type3A : vector<96x8192xi32> to vector<96x8192xf32>
    %get3A_13 = arith.constant 0 : index
    %get3A_14 = arith.constant 0 : index
    %get3A_15 = vector.load %arg3[%get3A_13, %get3A_14] : memref<96x128xf32, #tpu.memory_space<vmem>>, vector<96x128xf32>
    %dot_general3A = arith.constant dense<0.000000e+00> : vector<8192x128xf32>
    %dot_general3A_16 = tpu.matmul %convert_element_type3A_12, %get3A_15, %dot_general3A {dimension_numbers = #tpu.dot_dimension_numbers<[0], [0], [1], [1], [0, 1, 1, 1], [], []>, transpose_lhs_hint = false} : vector<96x8192xf32>, vector<96x128xf32>, vector<8192x128xf32> -> vector<8192x128xf32>
    %get3A_17 = arith.constant 0 : index
    %get3A_18 = arith.constant 0 : index
    %get3A_19 = vector.load %arg1[%get3A_17, %get3A_18] : memref<8192x128xf32, #tpu.memory_space<vmem>>, vector<8192x128xf32>
    %add3A = arith.addf %get3A_19, %dot_general3A_16 : vector<8192x128xf32>
    %max3A = arith.constant 0.000000e+00 : f32
    %max3A_20 = vector.broadcast %max3A : f32 to vector<8192x128xf32>
    %max3A_21 = arith.maximumf %add3A, %max3A_20 : vector<8192x128xf32>
    %get3A_22 = arith.constant 0 : index
    %get3A_23 = arith.constant 0 : index
    %get3A_24 = vector.load %arg4[%get3A_22, %get3A_23] : memref<128x128xf32, #tpu.memory_space<vmem>>, vector<128x128xf32>
    %dot_general3A_25 = arith.constant dense<0.000000e+00> : vector<8192x128xf32>
    %dot_general3A_26 = tpu.matmul %max3A_21, %get3A_24, %dot_general3A_25 {dimension_numbers = #tpu.dot_dimension_numbers<[1], [0], [0], [1], [0, 0, 1, 1], [], []>, transpose_lhs_hint = false} : vector<8192x128xf32>, vector<128x128xf32>, vector<8192x128xf32> -> vector<8192x128xf32>
    %get3A_27 = arith.constant 0 : index
    %get3A_28 = arith.constant 0 : index
    %get3A_29 = vector.load %arg5[%get3A_27, %get3A_28] : memref<1x128xf32, #tpu.memory_space<vmem>>, vector<1x128xf32>
    %add3A_30 = vector.broadcast %get3A_29 : vector<1x128xf32> to vector<8192x128xf32>
    %add3A_31 = arith.addf %dot_general3A_26, %add3A_30 : vector<8192x128xf32>
    %swap3A = arith.constant 0 : index
    %swap3A_32 = arith.constant 0 : index
    %swap3A_33 = vector.load %arg6[%swap3A, %swap3A_32] : memref<8192x128xf32, #tpu.memory_space<vmem>>, vector<8192x128xf32>
    tpu.vector_store %arg6[%swap3A, %swap3A_32], %add3A_31 {strides = array<i32>} : memref<8192x128xf32, #tpu.memory_space<vmem>>, vector<8192x128xf32>,
    return
  }
  func.func @transform_0(%arg0: i32) -> (i32, i32) {
    %c0_i32 = arith.constant 0 : i32
    %c0_i32_0 = arith.constant 0 : i32
    return %arg0, %c0_i32 : i32, i32
  }
  func.func @transform_1(%arg0: i32) -> (i32, i32, i32) {
    %c0_i32 = arith.constant 0 : i32
    %c0_i32_0 = arith.constant 0 : i32
    %c0_i32_1 = arith.constant 0 : i32
    return %arg0, %c0_i32, %c0_i32_0 : i32, i32, i32
  }
  func.func @transform_2(%arg0: i32) -> (i32, i32) {
    %c0_i32 = arith.constant 0 : i32
    %c0_i32_0 = arith.constant 0 : i32
    %c0_i32_1 = arith.constant 0 : i32
    return %c0_i32, %c0_i32_0 : i32, i32
  }
  func.func @transform_3(%arg0: i32) -> (i32, i32) {
    %c0_i32 = arith.constant 0 : i32
    %c0_i32_0 = arith.constant 0 : i32
    %c0_i32_1 = arith.constant 0 : i32
    return %c0_i32, %c0_i32_0 : i32, i32
  }
  func.func @transform_4(%arg0: i32) -> (i32, i32) {
    %c0_i32 = arith.constant 0 : i32
    %c0_i32_0 = arith.constant 0 : i32
    %c0_i32_1 = arith.constant 0 : i32
    return %c0_i32, %c0_i32_0 : i32, i32
  }
  func.func @transform_5(%arg0: i32) -> (i32, i32) {
    %c0_i32 = arith.constant 0 : i32
    %c0_i32_0 = arith.constant 0 : i32
    return %arg0, %c0_i32 : i32, i32
  }
}

</mosaic_0001>

<sc_bundles>
// kernel: kernel.5.cloned.1.call-start
scs
__scs_entry_jumppad:
0x0: {  	(pc) =	sbr.rel $0x88, $3  }
0x1: {  	(tag) =	ssettag $0x0;
	lr =	simm.s32 $0x1  }
0x2: {  	[smem:$0x3F99] =	sst lr;
	_ =	strace $0xD0000000  }
0x3: {  	_ = 	snop  }
0x4: {  	_ = 	snop  }
0x5: {  	_ = 	snop  }
0x6: {  	_ = 	snop  }
0x7: {  	_ = 	snop  }
__scs_overlays_trampoline_lowered:
0x8: {  	[smem:$0x3FA8] =	sst s0  }
0x9: {  	[smem:$0x3FA9] =	sst s1  }
0xa: {  	[smem:$0x3FAA] =	sst s2  }
0xb: {  	[smem:$0x3FAB] =	sst s3  }
0xc: {  	[smem:$0x3FAC] =	sst s4  }
0xd: {  	[smem:$0x3FAD] =	sst s5  }
0xe: {  	[smem:$0x3FAE] =	sst s6  }
0xf: {  	[smem:$0x3FAF] =	sst s7  }
0x10: {  	[smem:$0x3FB0] =	sst s8  }
0x11: {  	[smem:$0x3FB1] =	sst s9;
	s0 =	simm.s32 @!p0 $0x0  }
0x12: {  	s1 =	sld [smem:$0x3F97];
	s0 =	simm.s32 @p0 $0x1  }
0x13: {  	[smem:$0x3FB2] =	sst s0;
	s0 =	simm.s32 @!p1 $0x0  }
0x14: {  	s2 =	sld [smem:$0x3F96];
	s0 =	simm.s32 @p1 $0x1  }
0x15: {  	[smem:$0x3FB3] =	sst s0;
	s0 =	simm.s32 @!p2 $0x0  }
0x16: {  	s3 =	sld [smem:$0x3FDB];
	s0 =	simm.s32 @p2 $0x1  }
0x17: {  	s4 =	simm.s32 $0x1BF5;
	[smem:$0x3FB5] =	sst s0  }
0x18: {  	s0 =	sld [smem:$0x3F98];
	_ =	swait.ge [sflag:s4], $0x0  }
0x19: {  	s7 =	sld [smem:$0x3F99]  }
0x1a: {  	s8 =	sadd.s32 $0xFFFFE003, lr  }
0x1b: {  	s9 =	sadd.s32 $0xFFFFFEF7, lr;
	s5 =	simm.s32 $0xFFFFFFFF;
	p2 =	slt.u32 s8, $0xFFFFF086  }
0x1c: {  	p1 =	slt.u32 s9, $0xF7A;
	s5 =	simm.s32 @!p2 $0x0  }
0x1d: {  	s5 =	simm.s32 @p1 $0x1;
	p0 =	seq.s32 s7, s2  }
0x1e: {  	s7 =	smul.u32 @!p0 $0xF7A, s2;
	p2 =	seq.s32 @!p0 s5, $0x0  }
0x1f: {  	s9 =	smul.u32 $0xF7A, s1;
	s8 =	simm.s32 @!p0 $0x1BF5;
	p2 =	por !p2, p0  }
0x20: {  	[sflag:s8] =	ssyncset.s32 @!p0 $0xFFFFF086;
	s6 =	sadd.s32 @!p0 s3, s7;
	s7 =	simm.s32 @!p0 $0x108  }
0x21: {  	s3 =	sadd.s32 s3, s9;
	s6 =	sadd.s32 @!p0 $0x88, s6;
	s7 =	simm.s32 @p2 $0x1082  }
0x22: {  	[simem:s7], [sflag:s8] =	dma.local @!p0 [hbm:s6], $0xF7A  }
0x23: {  	s9 =	sor.u32 $0xD0000000, s2;
	s6 =	simm.s32 $0x108;
	_ =	swait.ge @!p0 [sflag:s8], $0x0  }
0x24: {  	s3 =	sadd.s32 $0x88, s3;
	s6 =	simm.s32 @!p1 $0x1082;
	[sflag:s4] =	ssyncset.s32 $0xFFFFF086  }
0x25: {  	[simem:s6], [sflag:s4] =	dma.local [hbm:s3], $0xF7A  }
0x26: {  	[smem:$0x3F99] =	sst s1;
	(tag) =	ssettag s2;
	_ =	strace s9  }
0x27: {  	s1 =	sld [smem:$0x3FA9]  }
0x28: {  	s2 =	sld [smem:$0x3FAA]  }
0x29: {  	s4 =	sld [smem:$0x3FAC]  }
0x2a: {  	p0 =	seq.s32 s5, $0x0;
	s5 =	sld [smem:$0x3FAD]  }
0x2b: {  	s6 =	sld [smem:$0x3FAE]  }
0x2c: {  	s7 =	sld [smem:$0x3FAF]  }
0x2d: {  	s3 =	simm.s32 $0x108;
	s8 =	sld [smem:$0x3FB0]  }
0x2e: {  	s3 =	simm.s32 @!p0 $0x1082;
	s9 =	sld [smem:$0x3FB1]  }
0x2f: {  	lr =	sadd.s32 s0, s3;
	s0 =	sld [smem:$0x3FA8]  }
0x30: {  	s3 =	sld [smem:$0x3FAB]  }
0x31: {  	[smem:$0x3FB4] =	sst s10  }
0x32: {  	s10 =	sld [smem:$0x3FB2];
	_ =	sdelay $0x3  }
0x33: {  	p0 =	seq.s32 s10, $0x1;
	s10 =	sld [smem:$0x3FB4];
	_ =	sdelay $0x3  }
0x34: {  	[smem:$0x3FB4] =	sst s10  }
0x35: {  	s10 =	sld [smem:$0x3FB3];
	_ =	sdelay $0x3  }
0x36: {  	p1 =	seq.s32 s10, $0x1;
	s10 =	sld [smem:$0x3FB4];
	_ =	sdelay $0x3  }
0x37: {  	[smem:$0x3FB4] =	sst s10  }
0x38: {  	s10 =	sld [smem:$0x3FB5]  }
0x39: {  	_ = 	snop;
	(pc) =	sbr.ind lr, $3  }
0x3a: {  	_ = 	snop  }
0x3b: {  	_ = 	snop  }
0x3c: {  	p2 =	seq.s32 s10, $0x1;
	s10 =	sld [smem:$0x3FB4]  }
0x3d: {  	_ =	shalt  }
0x3e: {  	_ =	shalt  }
0x3f: {  	_ =	shalt  }
0x40: {  	_ =	shalt  }
0x41: {  	_ =	shalt  }
0x42: {  	_ =	shalt  }
0x43: {  	_ =	shalt  }
0x44: {  	_ =	shalt  }
0x45: {  	_ =	shalt  }
0x46: {  	_ =	shalt  }
0x47: {  	_ =	shalt  }
0x48: {  	_ =	shalt  }
0x49: {  	_ =	shalt  }
0x4a: {  	_ =	shalt  }
0x4b: {  	_ =	shalt  }
0x4c: {  	_ =	shalt  }
0x4d: {  	_ =	shalt  }
0x4e: {  	_ =	shalt  }
0x4f: {  	_ =	shalt  }
0x50: {  	_ =	shalt  }
0x51: {  	_ =	shalt  }
0x52: {  	_ =	shalt  }
0x53: {  	_ =	shalt  }
0x54: {  	_ =	shalt  }
0x55: {  	_ =	shalt  }
0x56: {  	_ =	shalt  }
0x57: {  	_ =	shalt  }
0x58: {  	_ =	shalt  }
0x59: {  	_ =	shalt  }
0x5a: {  	_ =	shalt  }
0x5b: {  	_ =	shalt  }
0x5c: {  	_ =	shalt  }
0x5d: {  	_ =	shalt  }
0x5e: {  	_ =	shalt  }
0x5f: {  	_ =	shalt  }
0x60: {  	_ =	shalt  }
0x61: {  	_ =	shalt  }
0x62: {  	_ =	shalt  }
0x63: {  	_ =	shalt  }
0x64: {  	_ =	shalt  }
0x65: {  	_ =	shalt  }
0x66: {  	_ =	shalt  }
0x67: {  	_ =	shalt  }
0x68: {  	_ =	shalt  }
0x69: {  	_ =	shalt  }
0x6a: {  	_ =	shalt  }
0x6b: {  	_ =	shalt  }
0x6c: {  	_ =	shalt  }
0x6d: {  	_ =	shalt  }
0x6e: {  	_ =	shalt  }
0x6f: {  	_ =	shalt  }
0x70: {  	_ =	shalt  }
0x71: {  	_ =	shalt  }
0x72: {  	_ =	shalt  }
0x73: {  	_ =	shalt  }
0x74: {  	_ =	shalt  }
0x75: {  	_ =	shalt  }
0x76: {  	_ =	shalt  }
0x77: {  	_ =	shalt  }
0x78: {  	_ =	shalt  }
0x79: {  	_ =	shalt  }
0x7a: {  	_ =	shalt  }
0x7b: {  	_ =	shalt  }
0x7c: {  	_ =	shalt  }
0x7d: {  	_ =	shalt  }
0x7e: {  	_ =	shalt  }
0x7f: {  	_ =	shalt  }
0x80: {  	_ =	shalt  }
0x81: {  	_ =	shalt  }
0x82: {  	_ =	shalt  }
0x83: {  	_ =	shalt  }
0x84: {  	_ =	shalt  }
0x85: {  	_ =	shalt  }
0x86: {  	_ =	shalt  }
0x87: {  	_ =	shalt  }
.Lfunc_end0:
.L_simem_size_0:
called_computation_lowered:
.L_overlay_start_0:
0x88: {  	s2 =	sld [smem:$0x3FD9]  }
0x89: {  	s3 =	sld [smem:$0x3FFE];
	_ =	sdelay $0x1  }
0x8a: {  	s1 =	srdreg.scid  }
0x8b: {  	s0 =	sand.u32 $0x1, s1  }
0x8c: {  	s17 =	sshll.u32 s0, $0xA;
	s2 =	sadd.s32 s3, s2  }
0x8d: {  	s2 =	sadd.s32 s2, s17  }
0x8e: {  	[smem:$0x3FC0] =	sst s2  }
0x8f: {  	_ = 	snop  }
0x90: {  	s2 =	sld [smem:$0x3FC9]  }
0x91: {  	s18 =	sld [smem:$0x3FD0];
	(tm) =	ssettm $0x1  }
0x92: {  	s4 =	sld [smem:$0x3FFB];
	_ =	sdelay $0x3  }
0x93: {  	_ =	strace s4  }
0x94: {  	s4 =	sld [smem:$0x3FFC];
	_ =	sdelay $0x3  }
0x95: {  	_ =	strace s4  }
0x96: {  	s4 =	sld [smem:$0x3FFD];
	_ =	sdelay $0x3  }
0x97: {  	_ =	strace s4  }
0x98: {  	_ =	strace $0x8FFFFFFF  }
0x99: {  	s19 =	sld [smem:$0x3FDB];
	_ =	sdelay $0x1  }
0x9a: {  	s5 =	simm.s32 $_scs_section_size  }
0x9b: {  	s6 =	simm.s32 $_size__tile_overlayer_lowered;
	s7 =	simm.s32 $_tile_overlayer_lowered  }
0x9c: {  	s22 =	simm.s32 $0x1BFF;
	s21 =	sshll.u32 s7, $0x1;
	s4 =	sadd.s32 s5, s19  }
0x9d: {  	s8 =	simm.s32 $0x0;
	s20 =	sshll.u32 s6, $0x1;
	s6 =	sadd.s32 s21, s4  }
0x9e: {  	[timem:s8], [sflag:s22] =	dma.local [hbm:s6], s20  }
0x9f: {  	_ =	swait.ge [sflag:s22], s20  }
0xa0: {  	s5 =	ssub.s32 $0x0, s20;
	[sflag:s22] =	ssyncset.done $0x0  }
0xa1: {  	[sflag:s22] =	ssyncadd.s32 s5;
	_ =	sdelay $0x1  }
0xa2: {  	s23 =	simm.s32 $0x1B8B  }
0xa3: {  	_ =	swait.ge [sflag:s23], $0x1  }
0xa4: {  	[sflag:s23] =	ssyncset.done $0x0  }
0xa5: {  	s25 =	simm.s32 $0x1B8E;
	s24 =	sld [smem:$0x3FFE];
	[sflag:s23] =	ssyncadd.s32 $0xFFFFFFFF  }
0xa6: {  	s26 =	simm.s32 $execute0_lowered;
	[smem:$0x3FD2] =	sst s25  }
0xa7: {  	s6 =	sshll.u32 s26, $0x1;
	_ =	strace $0x80000046;
	[dreg:$0x1] =	wrdreg $0xFFFFFFFF  }
0xa8: {  	s28 =	simm.s32 $_size_execute0_lowered;
	s4 =	sadd.s32 s4, s6;
	[dreg:$0x0] =	wrdreg $0x0  }
0xa9: {  	s6 =	sshll.u32 s28, $0x1;
	[dreg:$0x2] =	wrdreg s4  }
0xaa: {  	[dreg:$0x3] =	wrdreg s6  }
0xab: {  	[dreg:$0x4] =	wrdreg $0xC0  }
0xac: {  	_ =	task [dreg:s8], $0x5FFFF  }
0xad: {  	[dreg:$0x1] =	wrdreg $0xFFFFFFFF  }
0xae: {  	[dreg:$0x0] =	wrdreg $0x60  }
0xaf: {  	[dreg:$0x2] =	wrdreg s2  }
0xb0: {  	[dreg:$0x3] =	wrdreg s24  }
0xb1: {  	[dreg:$0x4] =	wrdreg s18  }
0xb2: {  	[dreg:$0x5] =	wrdreg $0x9  }
0xb3: {  	_ =	task.clear_ibuf [dreg:s8], $0x6FFFF;
	_ =	strace $0x90000046  }
0xb4: {  	s29 =	simm.s32 $0x9;
	_ =	strace $0x80000048  }
0xb5: {  	_ =	swait.ge [sflag:s29], $0x1  }
0xb6: {  	[sflag:s29] =	ssyncadd.s32 $0xFFFFFFFF  }
0xb7: {  	_ =	strace $0x90000048  }
0xb8: {  	_ =	sfence  }
0xb9: {  	s30 =	sld [smem:$0x0];
	_ =	sdelay $0x2  }
0xba: {  	s31 =	sshll.u32 s1, $0xD;
	s1 =	sshrl.u32 s1, $0x2  }
0xbb: {  	s3 =	sand.u32 $0x4000, s31;
	s1 =	sadd.s32 s1, s30  }
0xbc: {  	s0 =	sor.u32 s3, s0;
	s1 =	sshll.u32 s1, $0x11  }
0xbd: {  	s0 =	sor.u32 s1, s0  }
0xbe: {  	s0 =	sadd.s32 $0x8F2B, s0  }
0xbf: {  	[sflag:s0] =	ssyncadd.remote.s32 $0x1  }
0xc0: {  	_ =	sfence.sel $0xFFFF  }
0xc1: {  	[dreg:$0x0] =	wrdreg $0xFFFFFFFF;
	(pc) =	sbr.abs _section_cstart, $3  }
0xc2: {  	[dreg:$0x1] =	wrdreg $0xFFFFFFFF  }
0xc3: {  	_ =	task.clear_ibuf [dreg:s8], $0x2FFFF;
	_ =	strace $0x9FFFFFFF  }
0xc4: {  	(tm) =	ssettm $0x7FFFFFFF  }
0xc5: {  	_ =	shalt  }
tec
execute0_lowered:
.L_overlay_start_1:
0x0: {  	(tag) =	ssettag $0x1  }
0x1: {  	s3 =	rddreg [dreg:$0x0]  }
0x2: {  	s5 =	rddreg [dreg:$0x1]  }
0x3: {  	s14 =	rddreg [dreg:$0x2];
	s1 =	srdreg.scid  }
0x4: {  	s0 =	rddreg [dreg:$0x3];
	s19 =	sand.u32 $0x1, s1  }
0x5: {  	s2 =	simm.s32 $0x0;
	s1 =	stileid.u32;
	s4 =	sshll.u32 s19, $0x6  }
0x6: {  	[smem:$0x7FF] =	sst s2;
	s6 =	sshll.u32 s1, $0x7;
	s3 =	sadd.s32 s3, s4  }
0x7: {  	_ =	strace $0x80000047;
	s4 =	simm.s32 $0x3;
	s3 =	sadd.s32 s6, s3  }
0x8: {  	[tilespmem:s2], [sflag:$0x3] =	stream.linear.gather [hbm4b:s3+s2], $0x200, $0x38;
	[tilespmem:$0x10200] =	vst v63  }
0x9: {  	_ =	swait.ge [sflag:s4], $0x200  }
0xa: {  	s7 =	simm.s32 $0x200;
	[sflag:s4] =	ssyncset.done $0x0  }
0xb: {  	s5 =	sadd.s32 $0x1800, s5;
	s6 =	simm.s32 $0x80;
	[sflag:s4] =	ssyncadd.s32 $0xFFFFFE00  }
0xc: {  	[tilespmem:s7], [sflag:$0x1] =	stream.indirect.gather [hbm4b:s5+s6], $0x80, s2, s6, $0xb8;
	[tilespmem:$0x10200] =	vst v63  }
0xd: {  	s8 =	simm.s32 $0x4200  }
0xe: {  	[tilespmem:s8], [sflag:$0x1] =	stream.indirect.gather [hbm4b:s5+s6], $0x80, s6, s6, $0xb8;
	[tilespmem:$0x10200] =	vst v63  }
0xf: {  	s9 =	simm.s32 $0x100;
	s10 =	simm.s32 $0x8200  }
0x10: {  	[tilespmem:s10], [sflag:$0x1] =	stream.indirect.gather [hbm4b:s5+s6], $0x80, s9, s6, $0xb8;
	[tilespmem:$0x10200] =	vst v63  }
0x11: {  	s11 =	simm.s32 $0x180;
	s12 =	simm.s32 $0xC200;
	s13 =	simm.s32 $0x1  }
0x12: {  	[tilespmem:s12], [sflag:$0x1] =	stream.indirect.gather [hbm4b:s5+s6], $0x80, s11, s6, $0xb8;
	[tilespmem:$0x10200] =	vst v63  }
0x13: {  	s15 =	sshll.u32 s1, $0xE;
	s16 =	sshll.u32 s19, $0xD;
	_ =	swait.ge [sflag:s13], $0x4000  }
0x14: {  	s15 =	sor.u32 s16, s15;
	[sflag:s13] =	ssyncset.done $0x0  }
0x15: {  	s14 =	sadd.s32 s14, s15;
	[sflag:s13] =	ssyncadd.s32 $0xFFFFC000  }
0x16: {  	[hbm4b:s14+s2] =	stream.linear.scatter [tilespmem:s7], [sflag:$0x2], $0x4000, $0x38;
	[tilespmem:$0x10200] =	vst v63  }
0x17: {  	_ =	swait.ge [sflag:s13], $0x4000  }
0x18: {  	[sflag:s13] =	ssyncset.done $0x0  }
0x19: {  	s15 =	sadd.s32 $0x800, s14;
	[sflag:s13] =	ssyncadd.s32 $0xFFFFC000  }
0x1a: {  	[hbm4b:s15+s2] =	stream.linear.scatter [tilespmem:s8], [sflag:$0x2], $0x4000, $0x38;
	[tilespmem:$0x10200] =	vst v63  }
0x1b: {  	_ =	swait.ge [sflag:s13], $0x4000  }
0x1c: {  	[sflag:s13] =	ssyncset.done $0x0  }
0x1d: {  	s16 =	sadd.s32 $0x1000, s14;
	[sflag:s13] =	ssyncadd.s32 $0xFFFFC000  }
0x1e: {  	[hbm4b:s16+s2] =	stream.linear.scatter [tilespmem:s10], [sflag:$0x2], $0x4000, $0x38;
	[tilespmem:$0x10200] =	vst v63  }
0x1f: {  	_ =	swait.ge [sflag:s13], $0x4000  }
0x20: {  	[sflag:s13] =	ssyncset.done $0x0  }
0x21: {  	s17 =	simm.s32 $0x2;
	s18 =	sadd.s32 $0x1800, s14;
	[sflag:s13] =	ssyncadd.s32 $0xFFFFC000  }
0x22: {  	[hbm4b:s18+s2] =	stream.linear.scatter [tilespmem:s12], [sflag:$0x2], $0x4000, $0x38;
	[tilespmem:$0x10200] =	vst v63  }
0x23: {  	_ =	swait.ge [sflag:s17], $0x4000  }
0x24: {  	s19 =	ssub.s32 $0x2, s19;
	[sflag:s17] =	ssyncset.done $0x0  }
0x25: {  	s20 =	sshrl.u32 s19, $0x1;
	[sflag:s17] =	ssyncadd.s32 $0xFFFFC000  }
0x26: {  	s19 =	ssub.s32 s19, s20;
	_ =	swait.ge [sflag:s17], $0x4000  }
0x27: {  	s19 =	smax.u32 s19, $0x1;
	[sflag:s17] =	ssyncset.done $0x0  }
0x28: {  	p0 =	sne.s32 s19, $0x1;
	[sflag:s17] =	ssyncadd.s32 $0xFFFFC000  }
.Ltmp0:
0x29: {  	_ =	swait.ge [sflag:s17], $0x4000;
	(pc) =	sbr.rel @!p0 .LBB2_2-.Ltmp0, $4  }
0x2a: {  	[sflag:s17] =	ssyncset.done $0x0  }
0x2b: {  	[sflag:s17] =	ssyncadd.s32 $0xFFFFC000  }
0x2c: {  	_ =	swait.ge [sflag:s17], $0x4000  }
0x2d: {  	s19 =	sadd.s32 $0xFFFFFFFF, s19;
	[sflag:s17] =	ssyncset.done $0x0  }
.LBB2_1:
0x2e: {  	p0 =	sne.s32 s19, $0x1;
	s19 =	sadd.s32 $0xFFFFFFFF, s19;
	[sflag:s17] =	ssyncadd.s32 $0xFFFFC000  }
0x2f: {  	[tilespmem:s2], [sflag:$0x3] =	stream.linear.gather [hbm4b:s3+s2], $0x200, $0x38;
	[tilespmem:$0x10200] =	vst v63  }
0x30: {  	_ =	swait.ge [sflag:s4], $0x200  }
0x31: {  	[sflag:s4] =	ssyncset.done $0x0  }
0x32: {  	[sflag:s4] =	ssyncadd.s32 $0xFFFFFE00  }
0x33: {  	[tilespmem:s7], [sflag:$0x1] =	stream.indirect.gather [hbm4b:s5+s6], $0x80, s2, s6, $0xb8;
	[tilespmem:$0x10200] =	vst v63  }
0x34: {  	_ = 	snop  }
0x35: {  	[tilespmem:s8], [sflag:$0x1] =	stream.indirect.gather [hbm4b:s5+s6], $0x80, s6, s6, $0xb8;
	[tilespmem:$0x10200] =	vst v63  }
0x36: {  	_ = 	snop  }
0x37: {  	[tilespmem:s10], [sflag:$0x1] =	stream.indirect.gather [hbm4b:s5+s6], $0x80, s9, s6, $0xb8;
	[tilespmem:$0x10200] =	vst v63  }
0x38: {  	_ = 	snop  }
0x39: {  	[tilespmem:s12], [sflag:$0x1] =	stream.indirect.gather [hbm4b:s5+s6], $0x80, s11, s6, $0xb8;
	[tilespmem:$0x10200] =	vst v63  }
0x3a: {  	_ =	swait.ge [sflag:s13], $0x4000  }
0x3b: {  	[sflag:s13] =	ssyncset.done $0x0  }
0x3c: {  	[sflag:s13] =	ssyncadd.s32 $0xFFFFC000  }
0x3d: {  	[hbm4b:s14+s2] =	stream.linear.scatter [tilespmem:s7], [sflag:$0x2], $0x4000, $0x38;
	[tilespmem:$0x10200] =	vst v63  }
0x3e: {  	_ =	swait.ge [sflag:s13], $0x4000  }
0x3f: {  	[sflag:s13] =	ssyncset.done $0x0  }
0x40: {  	[sflag:s13] =	ssyncadd.s32 $0xFFFFC000  }
0x41: {  	[hbm4b:s15+s2] =	stream.linear.scatter [tilespmem:s8], [sflag:$0x2], $0x4000, $0x38;
	[tilespmem:$0x10200] =	vst v63  }
0x42: {  	_ =	swait.ge [sflag:s13], $0x4000  }
0x43: {  	[sflag:s13] =	ssyncset.done $0x0  }
0x44: {  	[sflag:s13] =	ssyncadd.s32 $0xFFFFC000  }
0x45: {  	[hbm4b:s16+s2] =	stream.linear.scatter [tilespmem:s10], [sflag:$0x2], $0x4000, $0x38;
	[tilespmem:$0x10200] =	vst v63  }
0x46: {  	_ =	swait.ge [sflag:s13], $0x4000  }
0x47: {  	[sflag:s13] =	ssyncset.done $0x0  }
0x48: {  	[sflag:s13] =	ssyncadd.s32 $0xFFFFC000  }
0x49: {  	[hbm4b:s18+s2] =	stream.linear.scatter [tilespmem:s12], [sflag:$0x2], $0x4000, $0x38;
	[tilespmem:$0x10200] =	vst v63  }
0x4a: {  	_ =	swait.ge [sflag:s17], $0x4000  }
0x4b: {  	[sflag:s17] =	ssyncset.done $0x0  }
0x4c: {  	[sflag:s17] =	ssyncadd.s32 $0xFFFFC000  }
0x4d: {  	_ =	swait.ge [sflag:s17], $0x4000  }
0x4e: {  	[sflag:s17] =	ssyncset.done $0x0  }
0x4f: {  	[sflag:s17] =	ssyncadd.s32 $0xFFFFC000  }
.Ltmp1:
0x50: {  	_ =	swait.ge [sflag:s17], $0x4000;
	(pc) =	sbr.rel @p0 .LBB2_1-.Ltmp1, $4  }
0x51: {  	[sflag:s17] =	ssyncset.done $0x0  }
0x52: {  	[sflag:s17] =	ssyncadd.s32 $0xFFFFC000  }
0x53: {  	_ =	swait.ge [sflag:s17], $0x4000  }
0x54: {  	[sflag:s17] =	ssyncset.done $0x0  }
.LBB2_2:
0x55: {  	[sflag:s17] =	ssyncadd.s32 $0xFFFFC000  }
0x56: {  	_ =	sfence.sel $0x180000  }
0x57: {  	[bflag:$0x0] =	sbarrier.arrive $0xFFFF  }
0x58: {  	p0 =	sne.s32 s1, $0x0;
	_ =	strace $0x90000047  }
0x59: {  	s0 =	sadd.s32 @!p0 $0x100000, s0;
	[bflag:$0x2] =	sbarrier.arrive $0xFFFF  }
0x5a: {  	[sflag:s0] =	ssyncadd.tile.s32 @!p0 $0x1;
	_ =	shalt  }
.Lfunc_end2:
_tile_overlayer_lowered:
.L_overlay_start_2:
0x5b: {  	(tag) =	ssettag $0x2  }
0x5c: {  	s0 =	rddreg [dreg:$0x0];
	s2 =	stileid.u32  }
0x5d: {  	s1 =	rddreg [dreg:$0x1];
	p0 =	sne.s32 s2, $0x0  }
0x5e: {  	s3 =	rddreg [dreg:$0x2];
	[bflag:$0x3] =	sbarrier.arrive $0xFFFF;
	s2 =	simm.s32 @!p0 $0x1C03  }
0x5f: {  	[timem:s3], [sflag:s2] =	dma.local @!p0 [hbm:s0], s1  }
0x60: {  	s0 =	simm.s32 @!p0 $0x3  }
0x61: {  	_ =	swait.ge @!p0 [sflag:s0], s1  }
0x62: {  	s1 =	ssub.s32 @!p0 $0x0, s1;
	[sflag:s0] =	ssyncset.done @!p0 $0x0  }
0x63: {  	[sflag:s0] =	ssyncadd.s32 @!p0 s1  }
0x64: {  	[bflag:$0x3] =	sbarrier.arrive $0xFFFF  }
0x65: {  	_ =	shalt  }

</sc_bundles>
